<compile_context>
chip_gen: v7x
topology: tpu7x:2x2x1
jax: 0.10.2.dev20260603
libtpu: 0.0.44.dev20260713+nightly
codegen_flags: <defaults>
</compile_context>

<pallas_src>
import functools
import jax, jax.numpy as jnp
from jax import lax
from jax.experimental import pallas as pl
from jax.experimental.pallas import tpu as pltpu
from jax.experimental.pallas import tpu_sc as plsc
NC, NS = 2, 16
NW = NC * NS
B, S, D = 4, 8192, 768
N = B * S
ROWS_PER_W = N // NW
C = 64
NCHUNK = ROWS_PER_W // C
NBUF = 2
_mesh = plsc.VectorSubcoreMesh(core_axis_name="c", subcore_axis_name="s", num_cores=NC, num_subcores=NS)
@functools.partial(pl.kernel, out_type=jax.ShapeDtypeStruct((N, D), jnp.float32), mesh=_mesh,
    scratch_types=[
        [pltpu.VMEM((C, D), jnp.float32) for _ in range(NBUF)],
        [pltpu.SemaphoreType.DMA for _ in range(NBUF)],
        [pltpu.SemaphoreType.DMA for _ in range(NBUF)],
    ])
def _k(x_hbm, idx_hbm, tab_hbm, out_hbm, x_bufs, sems_x, sems_o):
    wid = lax.axis_index("s") * NC + lax.axis_index("c")
    base = wid * ROWS_PER_W
    def issue_x(i, b):
        pltpu.async_copy(x_hbm.at[pl.ds(base + i * C, C)], x_bufs[b], sems_x[b])
    issue_x(0, 0)
    @pl.loop(0, NCHUNK, step=NBUF)
    def _outer(g):
        for b in range(NBUF):
            i = g + b
            pltpu.make_async_copy(x_hbm.at[pl.ds(0, C)], x_bufs[b], sems_x[b]).wait()
            bp = (b + 1) % NBUF
            @pl.when(i + 1 < NCHUNK)
            def _():
                @pl.when(i + 1 >= NBUF)
                def _():
                    pltpu.make_async_copy(x_hbm.at[pl.ds(0, C)], x_bufs[bp], sems_o[bp]).wait()
                issue_x(i + 1, bp)
            pltpu.async_copy(x_bufs[b], out_hbm.at[pl.ds(base + i * C, C)], sems_o[b])
    for b in range(NBUF):
        pltpu.make_async_copy(x_hbm.at[pl.ds(0, C)], x_bufs[b], sems_o[b]).wait()
def kernel(x, positions, pos_table):
    return _k(x.reshape(N, D), positions.reshape(N), pos_table).reshape(B, S, D)

# --- scband reference (transcript-rebuilt; emitter-appended) ---
"""Pipeline reference for scband-positional-encoding-44753559224506 (READ-ONLY COPY).

The authoritative reference and input builder live on the scoring server;
editing this copy changes nothing except your own understanding.
"""

import jax, jax.numpy as jnp
import numpy as np

D_MODEL = 768
MAX_LEN = 8192
BATCH = 4
SEQ = 8192

def setup_inputs(seed: int = 0) -> dict:
    key = jax.random.key(seed)
    k_x, k_pos, k_tab = jax.random.split(key, 3)
    x = jax.random.normal(k_x, (BATCH, SEQ, D_MODEL), dtype=jnp.float32)
    positions = jax.random.randint(k_pos, (BATCH, SEQ), 0, MAX_LEN, dtype=jnp.int64 if jax.config.jax_enable_x64 else jnp.int32).astype(jnp.int32)
    pos_table = jax.random.normal(k_tab, (MAX_LEN, D_MODEL), dtype=jnp.float32)
    return {"x": x, "positions": positions, "pos_table": pos_table}

def reference(x, positions, pos_table):
    # nn.Embedding lookup: pos_emb = pos_embedding(positions)
    pos_emb = jnp.take(pos_table, positions, axis=0)
    return x + pos_emb

if __name__ == "__main__":
    import jax
    _d = setup_inputs()
    print(jax.jit(kernel)(*tuple(_d.values())))

</pallas_src>

<mosaic_0001>
#map = affine_map<(d0, d1) -> (0, 0)>
#map1 = affine_map<(d0, d1) -> (0)>
module attributes {stable_mosaic.version = 14 : i64} {
  func.func @_k(%arg0: i32, %arg1: i32, %arg2: memref<32768x768xf32, #tpu.memory_space<hbm>>, %arg3: memref<32768xi32, #tpu.memory_space<hbm>>, %arg4: memref<8192x768xf32, #tpu.memory_space<hbm>>, %arg5: memref<32768x768xf32, #tpu.memory_space<hbm>>, %arg6: memref<64x768xf32, #tpu.memory_space<vmem>>, %arg7: memref<64x768xf32, #tpu.memory_space<vmem>>, %arg8: memref<!tpu.dma_semaphore, #tpu.memory_space<semaphore_mem>>, %arg9: memref<!tpu.dma_semaphore, #tpu.memory_space<semaphore_mem>>, %arg10: memref<!tpu.dma_semaphore, #tpu.memory_space<semaphore_mem>>, %arg11: memref<!tpu.dma_semaphore, #tpu.memory_space<semaphore_mem>>) attributes {dimension_semantics = [#tpu.dimension_semantics<core_parallel>, #tpu.dimension_semantics<subcore_parallel>], iteration_bounds = array<i64: 2, 16>, scalar_prefetch = 0 : i64, scratch_operands = 6 : i64, tpu.core_type = #tpu.core_type<sc_vector_subcore>, window_params = [{transform_indices = #map}, {transform_indices = #map1}, {transform_indices = #map}, {transform_indices = #map}]} {
    %mul3A = arith.constant 2 : i32
    %mul3A_0 = arith.muli %arg1, %mul3A : i32
    %add3A = arith.addi %mul3A_0, %arg0 : i32
    %mul3A_1 = arith.constant 1024 : i32
    %mul3A_2 = arith.muli %add3A, %mul3A_1 : i32
    %add3A_3 = arith.constant 0 : i32
    %add3A_4 = arith.addi %mul3A_2, %add3A_3 : i32
    %dma_start3A = arith.constant 0 : i32
    %dma_start3A_5 = tpu.memref_slice %arg2[%add3A_4, %dma_start3A] : memref<32768x768xf32, #tpu.memory_space<hbm>> -> memref<64x768xf32, #tpu.memory_space<hbm>>
    %dma_start3A_6 = arith.constant 0 : i32
    %dma_start3A_7 = tpu.memref_slice %arg2[%add3A_4, %dma_start3A_6] : memref<32768x768xf32, #tpu.memory_space<hbm>> -> memref<64x768xf32, #tpu.memory_space<hbm>>
    tpu.enqueue_dma source(%dma_start3A_7 : memref<64x768xf32, #tpu.memory_space<hbm>>) target(%arg6 : memref<64x768xf32, #tpu.memory_space<vmem>>) target_semaphore(%arg8 : memref<!tpu.dma_semaphore, #tpu.memory_space<semaphore_mem>>)
    %scan3A = arith.constant 0 : i32
    %scan3A_8 = arith.constant 8 : i32
    %scan3A_9 = arith.addi %scan3A, %scan3A_8 : i32
    %scan3A_10 = arith.constant 1 : i32
    scf.for %scan3A_23 = %scan3A to %scan3A_9 step %scan3A_10  : i32 {
      %mul3A_24 = arith.constant 2 : i32
      %mul3A_25 = arith.muli %scan3A_23, %mul3A_24 : i32
      %add3A_26 = arith.constant 0 : i32
      %add3A_27 = arith.addi %add3A_26, %mul3A_25 : i32
      %add3A_28 = arith.constant 0 : i32
      %add3A_29 = arith.addi %add3A_27, %add3A_28 : i32
      %dma_wait3A_30 = arith.constant 0 : i32
      %dma_wait3A_31 = arith.constant 0 : i32
      %dma_wait3A_32 = tpu.memref_slice %arg2[%dma_wait3A_30, %dma_wait3A_31] : memref<32768x768xf32, #tpu.memory_space<hbm>> -> memref<64x768xf32, #tpu.memory_space<hbm>>
      %dma_wait3A_33 = arith.constant 0 : i32
      %dma_wait3A_34 = arith.constant 0 : i32
      %dma_wait3A_35 = tpu.memref_slice %arg2[%dma_wait3A_33, %dma_wait3A_34] : memref<32768x768xf32, #tpu.memory_space<hbm>> -> memref<64x768xf32, #tpu.memory_space<hbm>>
      tpu.wait_dma2 semaphore(%arg8 : memref<!tpu.dma_semaphore, #tpu.memory_space<semaphore_mem>>) src(%dma_wait3A_35 : memref<64x768xf32, #tpu.memory_space<hbm>>) dst(%arg6 : memref<64x768xf32, #tpu.memory_space<vmem>>)
      %add3A_36 = arith.constant 1 : i32
      %add3A_37 = arith.addi %add3A_29, %add3A_36 : i32
      %lt3A = arith.constant 16 : i32
      %lt3A_38 = arith.cmpi slt, %add3A_37, %lt3A : i32
      %convert_element_type3A = arith.extui %lt3A_38 : i1 to i32
      %cond3A = arith.constant 0 : i32
      %cond3A_39 = arith.cmpi ne, %convert_element_type3A, %cond3A : i32
      scf.if %cond3A_39 {
        %add3A_69 = arith.constant 1 : i32
        %add3A_70 = arith.addi %add3A_29, %add3A_69 : i32
        %ge3A = arith.constant 2 : i32
        %ge3A_71 = arith.cmpi sge, %add3A_70, %ge3A : i32
        %convert_element_type3A_72 = arith.extui %ge3A_71 : i1 to i32
        %cond3A_73 = arith.constant 0 : i32
        %cond3A_74 = arith.cmpi ne, %convert_element_type3A_72, %cond3A_73 : i32
        scf.if %cond3A_74 {
          %dma_wait3A_84 = arith.constant 0 : i32
          %dma_wait3A_85 = arith.constant 0 : i32
          %dma_wait3A_86 = tpu.memref_slice %arg2[%dma_wait3A_84, %dma_wait3A_85] : memref<32768x768xf32, #tpu.memory_space<hbm>> -> memref<64x768xf32, #tpu.memory_space<hbm>>
          %dma_wait3A_87 = arith.constant 0 : i32
          %dma_wait3A_88 = arith.constant 0 : i32
          %dma_wait3A_89 = tpu.memref_slice %arg2[%dma_wait3A_87, %dma_wait3A_88] : memref<32768x768xf32, #tpu.memory_space<hbm>> -> memref<64x768xf32, #tpu.memory_space<hbm>>
          tpu.wait_dma2 semaphore(%arg11 : memref<!tpu.dma_semaphore, #tpu.memory_space<semaphore_mem>>) src(%dma_wait3A_89 : memref<64x768xf32, #tpu.memory_space<hbm>>) dst(%arg7 : memref<64x768xf32, #tpu.memory_space<vmem>>)
        } else {
        }
        %add3A_75 = arith.constant 1 : i32
        %add3A_76 = arith.addi %add3A_29, %add3A_75 : i32
        %mul3A_77 = arith.constant 64 : i32
        %mul3A_78 = arith.muli %add3A_76, %mul3A_77 : i32
        %add3A_79 = arith.addi %mul3A_2, %mul3A_78 : i32
        %dma_start3A_80 = arith.constant 0 : i32
        %dma_start3A_81 = tpu.memref_slice %arg2[%add3A_79, %dma_start3A_80] : memref<32768x768xf32, #tpu.memory_space<hbm>> -> memref<64x768xf32, #tpu.memory_space<hbm>>
        %dma_start3A_82 = arith.constant 0 : i32
        %dma_start3A_83 = tpu.memref_slice %arg2[%add3A_79, %dma_start3A_82] : memref<32768x768xf32, #tpu.memory_space<hbm>> -> memref<64x768xf32, #tpu.memory_space<hbm>>
        tpu.enqueue_dma source(%dma_start3A_83 : memref<64x768xf32, #tpu.memory_space<hbm>>) target(%arg7 : memref<64x768xf32, #tpu.memory_space<vmem>>) target_semaphore(%arg9 : memref<!tpu.dma_semaphore, #tpu.memory_space<semaphore_mem>>)
      } else {
      }
      %mul3A_40 = arith.constant 64 : i32
      %mul3A_41 = arith.muli %add3A_29, %mul3A_40 : i32
      %add3A_42 = arith.addi %mul3A_2, %mul3A_41 : i32
      %dma_start3A_43 = arith.constant 0 : i32
      %dma_start3A_44 = tpu.memref_slice %arg5[%add3A_42, %dma_start3A_43] : memref<32768x768xf32, #tpu.memory_space<hbm>> -> memref<64x768xf32, #tpu.memory_space<hbm>>
      %dma_start3A_45 = arith.constant 0 : i32
      %dma_start3A_46 = tpu.memref_slice %arg5[%add3A_42, %dma_start3A_45] : memref<32768x768xf32, #tpu.memory_space<hbm>> -> memref<64x768xf32, #tpu.memory_space<hbm>>
      tpu.enqueue_dma source(%arg6 : memref<64x768xf32, #tpu.memory_space<vmem>>) target(%dma_start3A_46 : memref<64x768xf32, #tpu.memory_space<hbm>>) target_semaphore(%arg10 : memref<!tpu.dma_semaphore, #tpu.memory_space<semaphore_mem>>)
      %add3A_47 = arith.constant 1 : i32
      %add3A_48 = arith.addi %add3A_27, %add3A_47 : i32
      %dma_wait3A_49 = arith.constant 0 : i32
      %dma_wait3A_50 = arith.constant 0 : i32
      %dma_wait3A_51 = tpu.memref_slice %arg2[%dma_wait3A_49, %dma_wait3A_50] : memref<32768x768xf32, #tpu.memory_space<hbm>> -> memref<64x768xf32, #tpu.memory_space<hbm>>
      %dma_wait3A_52 = arith.constant 0 : i32
      %dma_wait3A_53 = arith.constant 0 : i32
      %dma_wait3A_54 = tpu.memref_slice %arg2[%dma_wait3A_52, %dma_wait3A_53] : memref<32768x768xf32, #tpu.memory_space<hbm>> -> memref<64x768xf32, #tpu.memory_space<hbm>>
      tpu.wait_dma2 semaphore(%arg9 : memref<!tpu.dma_semaphore, #tpu.memory_space<semaphore_mem>>) src(%dma_wait3A_54 : memref<64x768xf32, #tpu.memory_space<hbm>>) dst(%arg7 : memref<64x768xf32, #tpu.memory_space<vmem>>)
      %add3A_55 = arith.constant 1 : i32
      %add3A_56 = arith.addi %add3A_48, %add3A_55 : i32
      %lt3A_57 = arith.constant 16 : i32
      %lt3A_58 = arith.cmpi slt, %add3A_56, %lt3A_57 : i32
      %convert_element_type3A_59 = arith.extui %lt3A_58 : i1 to i32
      %cond3A_60 = arith.constant 0 : i32
      %cond3A_61 = arith.cmpi ne, %convert_element_type3A_59, %cond3A_60 : i32
      scf.if %cond3A_61 {
        %add3A_69 = arith.constant 1 : i32
        %add3A_70 = arith.addi %add3A_48, %add3A_69 : i32
        %ge3A = arith.constant 2 : i32
        %ge3A_71 = arith.cmpi sge, %add3A_70, %ge3A : i32
        %convert_element_type3A_72 = arith.extui %ge3A_71 : i1 to i32
        %cond3A_73 = arith.constant 0 : i32
        %cond3A_74 = arith.cmpi ne, %convert_element_type3A_72, %cond3A_73 : i32
        scf.if %cond3A_74 {
          %dma_wait3A_84 = arith.constant 0 : i32
          %dma_wait3A_85 = arith.constant 0 : i32
          %dma_wait3A_86 = tpu.memref_slice %arg2[%dma_wait3A_84, %dma_wait3A_85] : memref<32768x768xf32, #tpu.memory_space<hbm>> -> memref<64x768xf32, #tpu.memory_space<hbm>>
          %dma_wait3A_87 = arith.constant 0 : i32
          %dma_wait3A_88 = arith.constant 0 : i32
          %dma_wait3A_89 = tpu.memref_slice %arg2[%dma_wait3A_87, %dma_wait3A_88] : memref<32768x768xf32, #tpu.memory_space<hbm>> -> memref<64x768xf32, #tpu.memory_space<hbm>>
          tpu.wait_dma2 semaphore(%arg10 : memref<!tpu.dma_semaphore, #tpu.memory_space<semaphore_mem>>) src(%dma_wait3A_89 : memref<64x768xf32, #tpu.memory_space<hbm>>) dst(%arg6 : memref<64x768xf32, #tpu.memory_space<vmem>>)
        } else {
        }
        %add3A_75 = arith.constant 1 : i32
        %add3A_76 = arith.addi %add3A_48, %add3A_75 : i32
        %mul3A_77 = arith.constant 64 : i32
        %mul3A_78 = arith.muli %add3A_76, %mul3A_77 : i32
        %add3A_79 = arith.addi %mul3A_2, %mul3A_78 : i32
        %dma_start3A_80 = arith.constant 0 : i32
        %dma_start3A_81 = tpu.memref_slice %arg2[%add3A_79, %dma_start3A_80] : memref<32768x768xf32, #tpu.memory_space<hbm>> -> memref<64x768xf32, #tpu.memory_space<hbm>>
        %dma_start3A_82 = arith.constant 0 : i32
        %dma_start3A_83 = tpu.memref_slice %arg2[%add3A_79, %dma_start3A_82] : memref<32768x768xf32, #tpu.memory_space<hbm>> -> memref<64x768xf32, #tpu.memory_space<hbm>>
        tpu.enqueue_dma source(%dma_start3A_83 : memref<64x768xf32, #tpu.memory_space<hbm>>) target(%arg6 : memref<64x768xf32, #tpu.memory_space<vmem>>) target_semaphore(%arg8 : memref<!tpu.dma_semaphore, #tpu.memory_space<semaphore_mem>>)
      } else {
      }
      %mul3A_62 = arith.constant 64 : i32
      %mul3A_63 = arith.muli %add3A_48, %mul3A_62 : i32
      %add3A_64 = arith.addi %mul3A_2, %mul3A_63 : i32
      %dma_start3A_65 = arith.constant 0 : i32
      %dma_start3A_66 = tpu.memref_slice %arg5[%add3A_64, %dma_start3A_65] : memref<32768x768xf32, #tpu.memory_space<hbm>> -> memref<64x768xf32, #tpu.memory_space<hbm>>
      %dma_start3A_67 = arith.constant 0 : i32
      %dma_start3A_68 = tpu.memref_slice %arg5[%add3A_64, %dma_start3A_67] : memref<32768x768xf32, #tpu.memory_space<hbm>> -> memref<64x768xf32, #tpu.memory_space<hbm>>
      tpu.enqueue_dma source(%arg7 : memref<64x768xf32, #tpu.memory_space<vmem>>) target(%dma_start3A_68 : memref<64x768xf32, #tpu.memory_space<hbm>>) target_semaphore(%arg11 : memref<!tpu.dma_semaphore, #tpu.memory_space<semaphore_mem>>)
    }
    %scan3A_11 = arith.constant 8 : i32
    %dma_wait3A = arith.constant 0 : i32
    %dma_wait3A_12 = arith.constant 0 : i32
    %dma_wait3A_13 = tpu.memref_slice %arg2[%dma_wait3A, %dma_wait3A_12] : memref<32768x768xf32, #tpu.memory_space<hbm>> -> memref<64x768xf32, #tpu.memory_space<hbm>>
    %dma_wait3A_14 = arith.constant 0 : i32
    %dma_wait3A_15 = arith.constant 0 : i32
    %dma_wait3A_16 = tpu.memref_slice %arg2[%dma_wait3A_14, %dma_wait3A_15] : memref<32768x768xf32, #tpu.memory_space<hbm>> -> memref<64x768xf32, #tpu.memory_space<hbm>>
    tpu.wait_dma2 semaphore(%arg10 : memref<!tpu.dma_semaphore, #tpu.memory_space<semaphore_mem>>) src(%dma_wait3A_16 : memref<64x768xf32, #tpu.memory_space<hbm>>) dst(%arg6 : memref<64x768xf32, #tpu.memory_space<vmem>>)
    %dma_wait3A_17 = arith.constant 0 : i32
    %dma_wait3A_18 = arith.constant 0 : i32
    %dma_wait3A_19 = tpu.memref_slice %arg2[%dma_wait3A_17, %dma_wait3A_18] : memref<32768x768xf32, #tpu.memory_space<hbm>> -> memref<64x768xf32, #tpu.memory_space<hbm>>
    %dma_wait3A_20 = arith.constant 0 : i32
    %dma_wait3A_21 = arith.constant 0 : i32
    %dma_wait3A_22 = tpu.memref_slice %arg2[%dma_wait3A_20, %dma_wait3A_21] : memref<32768x768xf32, #tpu.memory_space<hbm>> -> memref<64x768xf32, #tpu.memory_space<hbm>>
    tpu.wait_dma2 semaphore(%arg11 : memref<!tpu.dma_semaphore, #tpu.memory_space<semaphore_mem>>) src(%dma_wait3A_22 : memref<64x768xf32, #tpu.memory_space<hbm>>) dst(%arg7 : memref<64x768xf32, #tpu.memory_space<vmem>>)
    return
  }
}

</mosaic_0001>

<sc_bundles>
// kernel: kernel.3.cloned.1.call-start
scs
__scs_entry_jumppad:
0x0: {  	(pc) =	sbr.rel $0x88, $3  }
0x1: {  	(tag) =	ssettag $0x0;
	lr =	simm.s32 $0x1  }
0x2: {  	[smem:$0x3F9E] =	sst lr;
	_ =	strace $0xD0000000  }
0x3: {  	_ = 	snop  }
0x4: {  	_ = 	snop  }
0x5: {  	_ = 	snop  }
0x6: {  	_ = 	snop  }
0x7: {  	_ = 	snop  }
__scs_overlays_trampoline_lowered:
0x8: {  	[smem:$0x3FAD] =	sst s0  }
0x9: {  	[smem:$0x3FAE] =	sst s1  }
0xa: {  	[smem:$0x3FAF] =	sst s2  }
0xb: {  	[smem:$0x3FB0] =	sst s3  }
0xc: {  	[smem:$0x3FB1] =	sst s4  }
0xd: {  	[smem:$0x3FB2] =	sst s5  }
0xe: {  	[smem:$0x3FB3] =	sst s6  }
0xf: {  	[smem:$0x3FB4] =	sst s7  }
0x10: {  	[smem:$0x3FB5] =	sst s8  }
0x11: {  	[smem:$0x3FB6] =	sst s9;
	s0 =	simm.s32 @!p0 $0x0  }
0x12: {  	s1 =	sld [smem:$0x3F9C];
	s0 =	simm.s32 @p0 $0x1  }
0x13: {  	[smem:$0x3FB7] =	sst s0;
	s0 =	simm.s32 @!p1 $0x0  }
0x14: {  	s2 =	sld [smem:$0x3F9B];
	s0 =	simm.s32 @p1 $0x1  }
0x15: {  	[smem:$0x3FB8] =	sst s0;
	s0 =	simm.s32 @!p2 $0x0  }
0x16: {  	s3 =	sld [smem:$0x3FDB];
	s0 =	simm.s32 @p2 $0x1  }
0x17: {  	s4 =	simm.s32 $0x1BF5;
	[smem:$0x3FBA] =	sst s0  }
0x18: {  	s0 =	sld [smem:$0x3F9D];
	_ =	swait.ge [sflag:s4], $0x0  }
0x19: {  	s7 =	sld [smem:$0x3F9E]  }
0x1a: {  	s8 =	sadd.s32 $0xFFFFE003, lr  }
0x1b: {  	s9 =	sadd.s32 $0xFFFFFEF7, lr;
	s5 =	simm.s32 $0xFFFFFFFF;
	p2 =	slt.u32 s8, $0xFFFFF086  }
0x1c: {  	p1 =	slt.u32 s9, $0xF7A;
	s5 =	simm.s32 @!p2 $0x0  }
0x1d: {  	s5 =	simm.s32 @p1 $0x1;
	p0 =	seq.s32 s7, s2  }
0x1e: {  	s7 =	smul.u32 @!p0 $0xF7A, s2;
	p2 =	seq.s32 @!p0 s5, $0x0  }
0x1f: {  	s9 =	smul.u32 $0xF7A, s1;
	s8 =	simm.s32 @!p0 $0x1BF5;
	p2 =	por !p2, p0  }
0x20: {  	[sflag:s8] =	ssyncset.s32 @!p0 $0xFFFFF086;
	s6 =	sadd.s32 @!p0 s3, s7;
	s7 =	simm.s32 @!p0 $0x108  }
0x21: {  	s3 =	sadd.s32 s3, s9;
	s6 =	sadd.s32 @!p0 $0x88, s6;
	s7 =	simm.s32 @p2 $0x1082  }
0x22: {  	[simem:s7], [sflag:s8] =	dma.local @!p0 [hbm:s6], $0xF7A  }
0x23: {  	s9 =	sor.u32 $0xD0000000, s2;
	s6 =	simm.s32 $0x108;
	_ =	swait.ge @!p0 [sflag:s8], $0x0  }
0x24: {  	s3 =	sadd.s32 $0x88, s3;
	s6 =	simm.s32 @!p1 $0x1082;
	[sflag:s4] =	ssyncset.s32 $0xFFFFF086  }
0x25: {  	[simem:s6], [sflag:s4] =	dma.local [hbm:s3], $0xF7A  }
0x26: {  	[smem:$0x3F9E] =	sst s1;
	(tag) =	ssettag s2;
	_ =	strace s9  }
0x27: {  	s1 =	sld [smem:$0x3FAE]  }
0x28: {  	s2 =	sld [smem:$0x3FAF]  }
0x29: {  	s4 =	sld [smem:$0x3FB1]  }
0x2a: {  	p0 =	seq.s32 s5, $0x0;
	s5 =	sld [smem:$0x3FB2]  }
0x2b: {  	s6 =	sld [smem:$0x3FB3]  }
0x2c: {  	s7 =	sld [smem:$0x3FB4]  }
0x2d: {  	s3 =	simm.s32 $0x108;
	s8 =	sld [smem:$0x3FB5]  }
0x2e: {  	s3 =	simm.s32 @!p0 $0x1082;
	s9 =	sld [smem:$0x3FB6]  }
0x2f: {  	lr =	sadd.s32 s0, s3;
	s0 =	sld [smem:$0x3FAD]  }
0x30: {  	s3 =	sld [smem:$0x3FB0]  }
0x31: {  	[smem:$0x3FB9] =	sst s10  }
0x32: {  	s10 =	sld [smem:$0x3FB7];
	_ =	sdelay $0x3  }
0x33: {  	p0 =	seq.s32 s10, $0x1;
	s10 =	sld [smem:$0x3FB9];
	_ =	sdelay $0x3  }
0x34: {  	[smem:$0x3FB9] =	sst s10  }
0x35: {  	s10 =	sld [smem:$0x3FB8];
	_ =	sdelay $0x3  }
0x36: {  	p1 =	seq.s32 s10, $0x1;
	s10 =	sld [smem:$0x3FB9];
	_ =	sdelay $0x3  }
0x37: {  	[smem:$0x3FB9] =	sst s10  }
0x38: {  	s10 =	sld [smem:$0x3FBA]  }
0x39: {  	_ = 	snop;
	(pc) =	sbr.ind lr, $3  }
0x3a: {  	_ = 	snop  }
0x3b: {  	_ = 	snop  }
0x3c: {  	p2 =	seq.s32 s10, $0x1;
	s10 =	sld [smem:$0x3FB9]  }
0x3d: {  	_ =	shalt  }
0x3e: {  	_ =	shalt  }
0x3f: {  	_ =	shalt  }
0x40: {  	_ =	shalt  }
0x41: {  	_ =	shalt  }
0x42: {  	_ =	shalt  }
0x43: {  	_ =	shalt  }
0x44: {  	_ =	shalt  }
0x45: {  	_ =	shalt  }
0x46: {  	_ =	shalt  }
0x47: {  	_ =	shalt  }
0x48: {  	_ =	shalt  }
0x49: {  	_ =	shalt  }
0x4a: {  	_ =	shalt  }
0x4b: {  	_ =	shalt  }
0x4c: {  	_ =	shalt  }
0x4d: {  	_ =	shalt  }
0x4e: {  	_ =	shalt  }
0x4f: {  	_ =	shalt  }
0x50: {  	_ =	shalt  }
0x51: {  	_ =	shalt  }
0x52: {  	_ =	shalt  }
0x53: {  	_ =	shalt  }
0x54: {  	_ =	shalt  }
0x55: {  	_ =	shalt  }
0x56: {  	_ =	shalt  }
0x57: {  	_ =	shalt  }
0x58: {  	_ =	shalt  }
0x59: {  	_ =	shalt  }
0x5a: {  	_ =	shalt  }
0x5b: {  	_ =	shalt  }
0x5c: {  	_ =	shalt  }
0x5d: {  	_ =	shalt  }
0x5e: {  	_ =	shalt  }
0x5f: {  	_ =	shalt  }
0x60: {  	_ =	shalt  }
0x61: {  	_ =	shalt  }
0x62: {  	_ =	shalt  }
0x63: {  	_ =	shalt  }
0x64: {  	_ =	shalt  }
0x65: {  	_ =	shalt  }
0x66: {  	_ =	shalt  }
0x67: {  	_ =	shalt  }
0x68: {  	_ =	shalt  }
0x69: {  	_ =	shalt  }
0x6a: {  	_ =	shalt  }
0x6b: {  	_ =	shalt  }
0x6c: {  	_ =	shalt  }
0x6d: {  	_ =	shalt  }
0x6e: {  	_ =	shalt  }
0x6f: {  	_ =	shalt  }
0x70: {  	_ =	shalt  }
0x71: {  	_ =	shalt  }
0x72: {  	_ =	shalt  }
0x73: {  	_ =	shalt  }
0x74: {  	_ =	shalt  }
0x75: {  	_ =	shalt  }
0x76: {  	_ =	shalt  }
0x77: {  	_ =	shalt  }
0x78: {  	_ =	shalt  }
0x79: {  	_ =	shalt  }
0x7a: {  	_ =	shalt  }
0x7b: {  	_ =	shalt  }
0x7c: {  	_ =	shalt  }
0x7d: {  	_ =	shalt  }
0x7e: {  	_ =	shalt  }
0x7f: {  	_ =	shalt  }
0x80: {  	_ =	shalt  }
0x81: {  	_ =	shalt  }
0x82: {  	_ =	shalt  }
0x83: {  	_ =	shalt  }
0x84: {  	_ =	shalt  }
0x85: {  	_ =	shalt  }
0x86: {  	_ =	shalt  }
0x87: {  	_ =	shalt  }
.Lfunc_end0:
.L_simem_size_0:
called_computation_lowered:
.L_overlay_start_0:
0x88: {  	s2 =	sld [smem:$0x3FD9]  }
0x89: {  	s3 =	sld [smem:$0x3FFE];
	_ =	sdelay $0x1  }
0x8a: {  	s1 =	srdreg.scid  }
0x8b: {  	s0 =	sand.u32 $0x1, s1  }
0x8c: {  	s18 =	sshll.u32 s0, $0xA;
	s2 =	sadd.s32 s3, s2  }
0x8d: {  	s2 =	sadd.s32 s2, s18  }
0x8e: {  	[smem:$0x3FC5] =	sst s2  }
0x8f: {  	_ = 	snop  }
0x90: {  	s2 =	sld [smem:$0x3FC9]  }
0x91: {  	s19 =	sld [smem:$0x3FD0];
	(tm) =	ssettm $0x1  }
0x92: {  	s4 =	sld [smem:$0x3FFB];
	_ =	sdelay $0x3  }
0x93: {  	_ =	strace s4  }
0x94: {  	s4 =	sld [smem:$0x3FFC];
	_ =	sdelay $0x3  }
0x95: {  	_ =	strace s4  }
0x96: {  	s4 =	sld [smem:$0x3FFD];
	_ =	sdelay $0x3  }
0x97: {  	_ =	strace s4  }
0x98: {  	_ =	strace $0x8FFFFFFF  }
0x99: {  	s20 =	sld [smem:$0x3FDB];
	_ =	sdelay $0x1  }
0x9a: {  	s5 =	simm.s32 $_scs_section_size  }
0x9b: {  	s6 =	simm.s32 $_size__tile_overlayer_lowered;
	s7 =	simm.s32 $_tile_overlayer_lowered  }
0x9c: {  	s23 =	simm.s32 $0x1BFF;
	s22 =	sshll.u32 s7, $0x1;
	s4 =	sadd.s32 s5, s20  }
0x9d: {  	s8 =	simm.s32 $0x0;
	s21 =	sshll.u32 s6, $0x1;
	s6 =	sadd.s32 s22, s4  }
0x9e: {  	[timem:s8], [sflag:s23] =	dma.local [hbm:s6], s21  }
0x9f: {  	_ =	swait.ge [sflag:s23], s21  }
0xa0: {  	s5 =	ssub.s32 $0x0, s21;
	[sflag:s23] =	ssyncset.done $0x0  }
0xa1: {  	[sflag:s23] =	ssyncadd.s32 s5;
	_ =	sdelay $0x1  }
0xa2: {  	s24 =	simm.s32 $0x1B8B  }
0xa3: {  	_ =	swait.ge [sflag:s24], $0x1  }
0xa4: {  	[sflag:s24] =	ssyncset.done $0x0  }
0xa5: {  	s25 =	simm.s32 $0x1B8E;
	[sflag:s24] =	ssyncadd.s32 $0xFFFFFFFF  }
0xa6: {  	s26 =	simm.s32 $execute0_lowered;
	[smem:$0x3FD2] =	sst s25  }
0xa7: {  	s5 =	sshll.u32 s26, $0x1;
	_ =	strace $0x80000046;
	[dreg:$0x1] =	wrdreg $0xFFFFFFFF  }
0xa8: {  	s28 =	simm.s32 $_size_execute0_lowered;
	s4 =	sadd.s32 s4, s5;
	[dreg:$0x0] =	wrdreg $0x0  }
0xa9: {  	s5 =	sshll.u32 s28, $0x1;
	[dreg:$0x2] =	wrdreg s4  }
0xaa: {  	[dreg:$0x3] =	wrdreg s5  }
0xab: {  	[dreg:$0x4] =	wrdreg $0xC0  }
0xac: {  	_ =	task [dreg:s8], $0x5FFFF  }
0xad: {  	[dreg:$0x1] =	wrdreg $0xFFFFFFFF  }
0xae: {  	[dreg:$0x0] =	wrdreg $0x60  }
0xaf: {  	[dreg:$0x2] =	wrdreg s2  }
0xb0: {  	[dreg:$0x3] =	wrdreg s19  }
0xb1: {  	[dreg:$0x4] =	wrdreg $0x9  }
0xb2: {  	_ =	task.clear_ibuf [dreg:s8], $0x5FFFF;
	_ =	strace $0x90000046  }
0xb3: {  	s29 =	simm.s32 $0x9;
	_ =	strace $0x80000048  }
0xb4: {  	_ =	swait.ge [sflag:s29], $0x1  }
0xb5: {  	[sflag:s29] =	ssyncadd.s32 $0xFFFFFFFF  }
0xb6: {  	_ =	strace $0x90000048  }
0xb7: {  	_ =	sfence  }
0xb8: {  	s30 =	sld [smem:$0x0];
	_ =	sdelay $0x2  }
0xb9: {  	s31 =	sshll.u32 s1, $0xD;
	s1 =	sshrl.u32 s1, $0x2  }
0xba: {  	s3 =	sand.u32 $0x4000, s31;
	s1 =	sadd.s32 s1, s30  }
0xbb: {  	s0 =	sor.u32 s3, s0;
	s1 =	sshll.u32 s1, $0x11  }
0xbc: {  	s0 =	sor.u32 s1, s0  }
0xbd: {  	s0 =	sadd.s32 $0x8F2B, s0  }
0xbe: {  	[sflag:s0] =	ssyncadd.remote.s32 $0x1  }
0xbf: {  	_ =	sfence.sel $0xFFFF  }
0xc0: {  	[dreg:$0x0] =	wrdreg $0xFFFFFFFF;
	(pc) =	sbr.abs _section_cstart, $3  }
0xc1: {  	[dreg:$0x1] =	wrdreg $0xFFFFFFFF  }
0xc2: {  	_ =	task.clear_ibuf [dreg:s8], $0x2FFFF;
	_ =	strace $0x9FFFFFFF  }
0xc3: {  	(tm) =	ssettm $0x7FFFFFFF  }
tec
execute0_lowered:
.L_overlay_start_1:
0x0: {  	(tag) =	ssettag $0x1  }
0x1: {  	s15 =	rddreg [dreg:$0x0]  }
0x2: {  	s14 =	rddreg [dreg:$0x1]  }
0x3: {  	s0 =	rddreg [dreg:$0x2];
	s3 =	srdreg.scid  }
0x4: {  	s2 =	simm.s32 $0x0;
	s1 =	stileid.u32;
	s18 =	simm.s32 $0x2  }
0x5: {  	s19 =	simm.s32 $0x3;
	s20 =	simm.s32 $0x4;
	s3 =	sand.u32 $0x1, s3  }
0x6: {  	s21 =	simm.s32 $0x0;
	s4 =	sshll.u32 s1, $0xB;
	s5 =	sshll.u32 s3, $0xA  }
0x7: {  	[smem:$0x7FF] =	sst s2;
	s3 =	ssub.s32 $0x2, s3;
	s8 =	sor.u32 s5, s4  }
0x8: {  	s29 =	sshrl.u32 s3, $0x1;
	s5 =	sshrl.u32 s8, $0x3;
	s6 =	sor.u32 $0x40, s8  }
0x9: {  	s30 =	sor.u32 $0x80, s8;
	s9 =	smul.u32 $0x300, s5;
	s6 =	sshrl.u32 s6, $0x3  }
0xa: {  	s11 =	sor.u32 $0x100, s8;
	s5 =	sshrl.u32 s30, $0x3;
	s10 =	smul.u32 $0x300, s6  }
0xb: {  	s8 =	sor.u32 $0xC0, s8;
	s11 =	sshrl.u32 s11, $0x3;
	s12 =	smul.u32 $0x300, s5  }
0xc: {  	s4 =	ssub.s32 s3, s29;
	s31 =	sshrl.u32 s8, $0x3;
	s16 =	smul.u32 $0x300, s11  }
0xd: {  	_ =	strace $0x80000047;
	s4 =	smax.u32 s4, $0x1;
	s17 =	smul.u32 $0x300, s31  }
0xe: {  	s3 =	sadd.s32 s15, s9;
	s6 =	sadd.s32 s14, s9;
	s13 =	sadd.s32 $0x16800, s9  }
0xf: {  	s5 =	sadd.s32 s15, s10;
	s7 =	sadd.s32 s15, s12;
	s8 =	sadd.s32 s14, s10  }
0x10: {  	s9 =	sadd.s32 s15, s13;
	s10 =	sadd.s32 $0x15000, s6;
	s11 =	sadd.s32 s14, s13  }
0x11: {  	s12 =	sadd.s32 s12, s14;
	s13 =	sadd.s32 s16, s15;
	s14 =	sadd.s32 s17, s14  }
0x12: {  	s15 =	sadd.s32 s17, s15;
	s16 =	simm.s32 $0x1;
	s17 =	simm.s32 $0xC000  }
.LBB2_1:
0x13: {  	[tilespmem:s2], [sflag:$0x1] =	stream.linear.gather [hbm4b:s3+s2], $0xC000, $0x38;
	[tilespmem:$0x18000] =	vst v63  }
0x14: {  	_ =	swait.ge [sflag:s16], $0xC000  }
0x15: {  	[sflag:s16] =	ssyncset.done $0x0  }
0x16: {  	[sflag:s16] =	ssyncadd.s32 $0xFFFF4000  }
0x17: {  	[tilespmem:s17], [sflag:$0x2] =	stream.linear.gather [hbm4b:s5+s2], $0xC000, $0x38;
	[tilespmem:$0x18000] =	vst v63  }
0x18: {  	_ = 	snop  }
0x19: {  	[hbm4b:s6+s2] =	stream.linear.scatter [tilespmem:s2], [sflag:$0x3], $0xC000, $0x38;
	[tilespmem:$0x18000] =	vst v63  }
0x1a: {  	_ =	swait.ge [sflag:s18], $0xC000  }
0x1b: {  	[sflag:s18] =	ssyncset.done $0x0  }
0x1c: {  	[sflag:s18] =	ssyncadd.s32 $0xFFFF4000  }
0x1d: {  	_ =	swait.ge [sflag:s19], $0xC000  }
0x1e: {  	[sflag:s19] =	ssyncset.done $0x0  }
0x1f: {  	[sflag:s19] =	ssyncadd.s32 $0xFFFF4000  }
0x20: {  	[tilespmem:s2], [sflag:$0x1] =	stream.linear.gather [hbm4b:s7+s2], $0xC000, $0x38;
	[tilespmem:$0x18000] =	vst v63  }
0x21: {  	_ = 	snop  }
0x22: {  	[hbm4b:s8+s2] =	stream.linear.scatter [tilespmem:s17], [sflag:$0x4], $0xC000, $0x38;
	[tilespmem:$0x18000] =	vst v63  }
0x23: {  	_ =	swait.ge [sflag:s16], $0xC000  }
0x24: {  	[sflag:s16] =	ssyncset.done $0x0  }
0x25: {  	[sflag:s16] =	ssyncadd.s32 $0xFFFF4000  }
0x26: {  	_ =	swait.ge [sflag:s20], $0xC000  }
0x27: {  	[sflag:s20] =	ssyncset.done $0x0  }
0x28: {  	s22 =	sadd.s32 $0x0, s15;
	[sflag:s20] =	ssyncadd.s32 $0xFFFF4000  }
0x29: {  	[tilespmem:s17], [sflag:$0x2] =	stream.linear.gather [hbm4b:s22+s2], $0xC000, $0x38;
	[tilespmem:$0x18000] =	vst v63  }
0x2a: {  	s30 =	sadd.s32 $0x0, s12  }
0x2b: {  	[hbm4b:s30+s2] =	stream.linear.scatter [tilespmem:s2], [sflag:$0x3], $0xC000, $0x38;
	[tilespmem:$0x18000] =	vst v63  }
0x2c: {  	_ =	swait.ge [sflag:s18], $0xC000  }
0x2d: {  	[sflag:s18] =	ssyncset.done $0x0  }
0x2e: {  	[sflag:s18] =	ssyncadd.s32 $0xFFFF4000  }
0x2f: {  	_ =	swait.ge [sflag:s19], $0xC000  }
0x30: {  	s31 =	sadd.s32 $0x0, s13;
	[sflag:s19] =	ssyncset.done $0x0  }
0x31: {  	s23 =	sadd.s32 $0x0, s14;
	s22 =	simm.s32 $0x3000;
	[sflag:s19] =	ssyncadd.s32 $0xFFFF4000  }
0x32: {  	[tilespmem:s2], [sflag:$0x1] =	stream.linear.gather [hbm4b:s31+s2], $0xC000, $0x38;
	[tilespmem:$0x18000] =	vst v63  }
.LBB2_2:
0x33: {  	[hbm4b:s23+s2] =	stream.linear.scatter [tilespmem:s17], [sflag:$0x4], $0xC000, $0x38;
	[tilespmem:$0x18000] =	vst v63  }
0x34: {  	s23 =	smov.u32 s22  }
0x35: {  	p0 =	sne.s32 s22, $0xF000;
	s22 =	sadd.s32 $0x3000, s22;
	_ =	swait.ge [sflag:s16], $0xC000  }
0x36: {  	[sflag:s16] =	ssyncset.done $0x0  }
0x37: {  	[sflag:s16] =	ssyncadd.s32 $0xFFFF4000  }
0x38: {  	_ =	swait.ge [sflag:s20], $0xC000  }
0x39: {  	[sflag:s20] =	ssyncset.done $0x0  }
0x3a: {  	s24 =	sadd.s32 s23, s15;
	[sflag:s20] =	ssyncadd.s32 $0xFFFF4000  }
0x3b: {  	[tilespmem:s17], [sflag:$0x2] =	stream.linear.gather [hbm4b:s24+s2], $0xC000, $0x38;
	[tilespmem:$0x18000] =	vst v63  }
0x3c: {  	s24 =	sadd.s32 s23, s12  }
0x3d: {  	[hbm4b:s24+s2] =	stream.linear.scatter [tilespmem:s2], [sflag:$0x3], $0xC000, $0x38;
	[tilespmem:$0x18000] =	vst v63  }
0x3e: {  	_ =	swait.ge [sflag:s18], $0xC000  }
0x3f: {  	[sflag:s18] =	ssyncset.done $0x0  }
0x40: {  	[sflag:s18] =	ssyncadd.s32 $0xFFFF4000  }
.Ltmp0:
0x41: {  	_ =	swait.ge [sflag:s19], $0xC000;
	(pc) =	sbr.rel @p0 .LBB2_2-.Ltmp0, $4  }
0x42: {  	[sflag:s19] =	ssyncset.done $0x0  }
0x43: {  	s24 =	sadd.s32 s23, s13;
	[sflag:s19] =	ssyncadd.s32 $0xFFFF4000  }
0x44: {  	[tilespmem:s2], [sflag:$0x1] =	stream.linear.gather [hbm4b:s24+s2], $0xC000, $0x38;
	[tilespmem:$0x18000] =	vst v63  }
0x45: {  	s23 =	sadd.s32 s23, s14  }
0x46: {  	[hbm4b:s23+s2] =	stream.linear.scatter [tilespmem:s17], [sflag:$0x4], $0xC000, $0x38;
	[tilespmem:$0x18000] =	vst v63  }
0x47: {  	_ =	swait.ge [sflag:s16], $0xC000  }
0x48: {  	[sflag:s16] =	ssyncset.done $0x0  }
0x49: {  	[sflag:s16] =	ssyncadd.s32 $0xFFFF4000  }
0x4a: {  	_ =	swait.ge [sflag:s20], $0xC000  }
0x4b: {  	[sflag:s20] =	ssyncset.done $0x0  }
0x4c: {  	[sflag:s20] =	ssyncadd.s32 $0xFFFF4000  }
0x4d: {  	[tilespmem:s17], [sflag:$0x2] =	stream.linear.gather [hbm4b:s9+s2], $0xC000, $0x38;
	[tilespmem:$0x18000] =	vst v63  }
0x4e: {  	_ = 	snop  }
0x4f: {  	[hbm4b:s10+s2] =	stream.linear.scatter [tilespmem:s2], [sflag:$0x3], $0xC000, $0x38;
	[tilespmem:$0x18000] =	vst v63  }
0x50: {  	_ =	swait.ge [sflag:s18], $0xC000  }
0x51: {  	[sflag:s18] =	ssyncset.done $0x0  }
0x52: {  	s21 =	sadd.s32 $0x1, s21;
	[sflag:s18] =	ssyncadd.s32 $0xFFFF4000  }
0x53: {  	[hbm4b:s11+s2] =	stream.linear.scatter [tilespmem:s17], [sflag:$0x4], $0xC000, $0x38;
	[tilespmem:$0x18000] =	vst v63  }
0x54: {  	p0 =	sne.s32 s21, s4;
	_ =	swait.ge [sflag:s19], $0xC000  }
.Ltmp1:
0x55: {  	[sflag:s19] =	ssyncset.done $0x0;
	(pc) =	sbr.rel @p0 .LBB2_1-.Ltmp1, $4  }
0x56: {  	[sflag:s19] =	ssyncadd.s32 $0xFFFF4000  }
0x57: {  	_ =	swait.ge [sflag:s20], $0xC000  }
0x58: {  	[sflag:s20] =	ssyncset.done $0x0  }
0x59: {  	[sflag:s20] =	ssyncadd.s32 $0xFFFF4000  }
0x5a: {  	_ =	sfence.sel $0x180000  }
0x5b: {  	[bflag:$0x0] =	sbarrier.arrive $0xFFFF  }
0x5c: {  	p0 =	sne.s32 s1, $0x0;
	_ =	strace $0x90000047  }
0x5d: {  	s0 =	sadd.s32 @!p0 $0x100000, s0;
	[bflag:$0x2] =	sbarrier.arrive $0xFFFF  }
0x5e: {  	[sflag:s0] =	ssyncadd.tile.s32 @!p0 $0x1;
	_ =	shalt  }
.Lfunc_end2:
_tile_overlayer_lowered:
.L_overlay_start_2:
0x5f: {  	(tag) =	ssettag $0x2  }
0x60: {  	s0 =	rddreg [dreg:$0x0];
	s2 =	stileid.u32  }
0x61: {  	s1 =	rddreg [dreg:$0x1];
	p0 =	sne.s32 s2, $0x0  }
0x62: {  	s3 =	rddreg [dreg:$0x2];
	[bflag:$0x3] =	sbarrier.arrive $0xFFFF;
	s2 =	simm.s32 @!p0 $0x1C05  }
0x63: {  	[timem:s3], [sflag:s2] =	dma.local @!p0 [hbm:s0], s1  }
0x64: {  	s0 =	simm.s32 @!p0 $0x5  }
0x65: {  	_ =	swait.ge @!p0 [sflag:s0], s1  }
0x66: {  	s1 =	ssub.s32 @!p0 $0x0, s1;
	[sflag:s0] =	ssyncset.done @!p0 $0x0  }
0x67: {  	[sflag:s0] =	ssyncadd.s32 @!p0 s1  }
0x68: {  	[bflag:$0x3] =	sbarrier.arrive $0xFFFF  }
0x69: {  	_ =	shalt  }

</sc_bundles>
